<compile_context>
chip_gen: v7x
topology: tpu7x:2x2x1
jax: 0.10.2.dev20260603
libtpu: 0.0.44.dev20260713+nightly
codegen_flags: <defaults>
</compile_context>

<pallas_src>
import functools

import jax
import jax.numpy as jnp
from jax.experimental import pallas as pl
from jax.experimental.pallas import tpu as pltpu

B, C, H, W = 32, 384, 56, 56
E = 16
K = 2
ROWS = B * C
HW = H * W
BLK = 256


def _stats_kernel(x_ref, out_ref):
    x = x_ref[...]
    zs = jnp.zeros((BLK, W), dtype=x.dtype)
    z1 = jnp.zeros((BLK, 1), dtype=x.dtype)
    up = jnp.concatenate([zs, x[:, :-W]], axis=1)
    down = jnp.concatenate([x[:, W:], zs], axis=1)
    left = jnp.concatenate([z1, x[:, :-1]], axis=1)
    right = jnp.concatenate([x[:, 1:], z1], axis=1)
    col = jax.lax.broadcasted_iota(jnp.int32, (1, HW), 1) % W
    left = jnp.where(col == 0, 0.0, left)
    right = jnp.where(col == W - 1, 0.0, right)
    lap = 4.0 * x - up - down - left - right
    inv = jnp.float32(1.0 / HW)
    s_mean = jnp.sum(x, axis=1) * inv
    s_freq = jnp.sum(jnp.abs(lap), axis=1) * inv
    out_ref[...] = jnp.stack([s_mean, s_freq], axis=1)


def _router_kernel(c_ref, w1_ref, b1_ref, w2_ref, b2_ref, rw_ref, idx_ref):
    combined = c_ref[...]
    h1 = jax.lax.dot_general(
        combined, w1_ref[...],
        (((1,), (1,)), ((), ())),
        preferred_element_type=jnp.float32,
    ) + b1_ref[...]
    h1 = jnp.maximum(h1, 0.0)
    logits = jax.lax.dot_general(
        h1, w2_ref[...],
        (((1,), (1,)), ((), ())),
        preferred_element_type=jnp.float32,
    ) + b2_ref[...]

    iota = jax.lax.broadcasted_iota(jnp.int32, (B, E), 1)
    m1 = jnp.max(logits, axis=1, keepdims=True)
    i1 = jnp.min(jnp.where(logits == m1, iota, E), axis=1, keepdims=True)
    neg = jnp.float32(-3.0e38)
    masked = jnp.where(iota == i1, neg, logits)
    m2 = jnp.max(masked, axis=1, keepdims=True)
    i2 = jnp.min(jnp.where(masked == m2, iota, E), axis=1, keepdims=True)

    e2 = jnp.exp(m2 - m1)
    denom = 1.0 + e2
    p1 = 1.0 / denom
    p2 = e2 / denom

    rw_ref[...] = jnp.where(iota == i1, p1, 0.0) + jnp.where(iota == i2, p2, 0.0)
    idx_ref[...] = jnp.concatenate([i1, i2], axis=1)


@functools.partial(jax.jit, static_argnames=("interpret",))
def _run(x, W1, b1, W2, b2, interpret=False):
    xr = x.reshape(ROWS, HW)
    stats = pl.pallas_call(
        _stats_kernel,
        grid=(ROWS // BLK,),
        in_specs=[pl.BlockSpec((BLK, HW), lambda i: (i, 0))],
        out_specs=pl.BlockSpec((BLK, 2), lambda i: (i, 0)),
        out_shape=jax.ShapeDtypeStruct((ROWS, 2), jnp.float32),
        compiler_params=pltpu.CompilerParams(
            dimension_semantics=("parallel",),
        ),
        interpret=interpret,
    )(xr)
    stats = stats.reshape(B, C, 2)
    combined = jnp.concatenate([stats[:, :, 0], stats[:, :, 1]], axis=1)

    rw, idx = pl.pallas_call(
        _router_kernel,
        in_specs=[
            pl.BlockSpec((B, 2 * C), lambda: (0, 0)),
            pl.BlockSpec((C, 2 * C), lambda: (0, 0)),
            pl.BlockSpec((1, C), lambda: (0, 0)),
            pl.BlockSpec((E, C), lambda: (0, 0)),
            pl.BlockSpec((1, E), lambda: (0, 0)),
        ],
        out_specs=[
            pl.BlockSpec((B, E), lambda: (0, 0)),
            pl.BlockSpec((B, K), lambda: (0, 0)),
        ],
        out_shape=[
            jax.ShapeDtypeStruct((B, E), jnp.float32),
            jax.ShapeDtypeStruct((B, K), jnp.int32),
        ],
        interpret=interpret,
    )(combined, W1, b1.reshape(1, C), W2, b2.reshape(1, E))
    return rw.reshape(B, E, 1, 1), idx.reshape(B, K, 1, 1)


def kernel(x, W1, b1, W2, b2):
    return _run(x, W1, b1, W2, b2)

# --- scband reference (transcript-rebuilt; emitter-appended) ---
"""Pipeline reference for scband-sparse-spectral-router-10024453669002 (READ-ONLY COPY).

The authoritative reference and input builder live on the scoring server;
editing this copy changes nothing except your own understanding.
"""

import jax, jax.numpy as jnp
import numpy as np

B, C, H, W = 32, 384, 56, 56
E = 16
K = 2


def setup_inputs(seed: int = 0) -> dict:
    key = jax.random.key(seed)
    k1, k2, k3 = jax.random.split(key, 3)
    x = jax.random.normal(k1, (B, C, H, W), dtype=jnp.float32)
    # fc = Linear(2C -> C), ReLU, Linear(C -> E); torch weights are [out, in]
    W1 = jax.random.normal(k2, (C, 2 * C), dtype=jnp.float32) * 0.02
    b1 = jnp.zeros((C,), dtype=jnp.float32)
    W2 = jax.random.normal(k3, (E, C), dtype=jnp.float32) * 0.02
    b2 = jnp.zeros((E,), dtype=jnp.float32)
    return {"x": x, "W1": W1, "b1": b1, "W2": W2, "b2": b2}


def _forward(x, W1, b1, W2, b2):
    b, c, h, w = x.shape
    lap = jnp.array([[0.0, -1.0, 0.0], [-1.0, 4.0, -1.0], [0.0, -1.0, 0.0]], dtype=jnp.float32).reshape(1, 1, 3, 3)
    weight = jnp.tile(lap, (c, 1, 1, 1))  # [C,1,3,3] depthwise
    high_freq = jax.lax.conv_general_dilated(
        x, weight,
        window_strides=(1, 1),
        padding=((1, 1), (1, 1)),
        dimension_numbers=("NCHW", "OIHW", "NCHW"),
        feature_group_count=c,
    )
    # torch.no_grad() on the conv branch
    high_freq = jax.lax.stop_gradient(high_freq)
    global_ctx = jnp.mean(x, axis=(2, 3))                 # AdaptiveAvgPool2d(1) + flatten
    freq_ctx = jnp.mean(jnp.abs(high_freq), axis=(2, 3))
    combined = jnp.concatenate([global_ctx, freq_ctx], axis=1)  # [B, 2C]
    h1 = jax.nn.relu(combined @ W1.T + b1)
    logits = h1 @ W2.T + b2                                # [B, E]
    _, top_k_indices = jax.lax.top_k(logits, K)            # topk over expert dim
    top_k_logits = jnp.take_along_axis(logits, top_k_indices, axis=1)
    sm = jax.nn.softmax(top_k_logits, axis=-1)             # softmax over the K slots
    routing_weights = jnp.zeros_like(logits).at[jnp.arange(b)[:, None], top_k_indices].set(sm)
    return routing_weights.reshape(b, E, 1, 1), top_k_indices.reshape(b, K, 1, 1)


def reference(x, W1, b1, W2, b2):
    return _forward(x, W1, b1, W2, b2)

if __name__ == "__main__":
    import jax
    _d = setup_inputs()
    print(jax.jit(kernel)(*tuple(_d.values())))

</pallas_src>

<mosaic_0001>
module attributes {stable_mosaic.version = 14 : i64} {
  func.func @_stats_kernel(%arg0: i32, %arg1: memref<256x3136xf32, #tpu.memory_space<vmem>>, %arg2: memref<256x2xf32, #tpu.memory_space<vmem>>) attributes {dimension_semantics = [#tpu.dimension_semantics<parallel>], iteration_bounds = array<i64: 48>, scalar_prefetch = 0 : i64, scratch_operands = 0 : i64, tpu.core_type = #tpu.core_type<tc>, window_params = [{transform_indices = @transform_0, window_bounds = array<i64: 256, 3136>}, {transform_indices = @transform_1, window_bounds = array<i64: 256, 2>}]} {
    %get3A = arith.constant 0 : index
    %get3A_0 = arith.constant 0 : index
    %get3A_1 = vector.load %arg1[%get3A, %get3A_0] : memref<256x3136xf32, #tpu.memory_space<vmem>>, vector<256x3136xf32>
    %broadcast_in_dim3A = arith.constant 0.000000e+00 : f32
    %broadcast_in_dim3A_2 = vector.broadcast %broadcast_in_dim3A : f32 to vector<256x56xf32>
    %broadcast_in_dim3A_3 = arith.constant 0.000000e+00 : f32
    %broadcast_in_dim3A_4 = vector.broadcast %broadcast_in_dim3A_3 : f32 to vector<256x1xf32>
    %slice3A = vector.extract_strided_slice %get3A_1 {offsets = [0, 0], sizes = [256, 3080], strides = [1, 1]} : vector<256x3136xf32> to vector<256x3080xf32>
    %concatenate3A = tpu.concatenate %broadcast_in_dim3A_2, %slice3A in 1 : vector<256x56xf32>, vector<256x3080xf32> -> vector<256x3136xf32>
    %slice3A_5 = vector.extract_strided_slice %get3A_1 {offsets = [0, 56], sizes = [256, 3080], strides = [1, 1]} : vector<256x3136xf32> to vector<256x3080xf32>
    %concatenate3A_6 = tpu.concatenate %slice3A_5, %broadcast_in_dim3A_2 in 1 : vector<256x3080xf32>, vector<256x56xf32> -> vector<256x3136xf32>
    %slice3A_7 = vector.extract_strided_slice %get3A_1 {offsets = [0, 0], sizes = [256, 3135], strides = [1, 1]} : vector<256x3136xf32> to vector<256x3135xf32>
    %concatenate3A_8 = tpu.concatenate %broadcast_in_dim3A_4, %slice3A_7 in 1 : vector<256x1xf32>, vector<256x3135xf32> -> vector<256x3136xf32>
    %slice3A_9 = vector.extract_strided_slice %get3A_1 {offsets = [0, 1], sizes = [256, 3135], strides = [1, 1]} : vector<256x3136xf32> to vector<256x3135xf32>
    %concatenate3A_10 = tpu.concatenate %slice3A_9, %broadcast_in_dim3A_4 in 1 : vector<256x3135xf32>, vector<256x1xf32> -> vector<256x3136xf32>
    %iota3A = tpu.iota {dimensions = array<i32: 1>} : vector<1x3136xi32>
    %jit3A = arith.constant 56 : i32
    %eq3A = arith.constant 0 : i32
    %eq3A_11 = arith.cmpi eq, %jit3A, %eq3A : i32
    %jit3A_12 = arith.constant 1 : i32
    %select_n3A = arith.select %eq3A_11, %jit3A_12, %jit3A : i32
    %rem3A = vector.broadcast %select_n3A : i32 to vector<1x3136xi32>
    %rem3A_13 = arith.remsi %iota3A, %rem3A : vector<1x3136xi32>
    %ne3A = arith.constant 0 : i32
    %ne3A_14 = vector.broadcast %ne3A : i32 to vector<1x3136xi32>
    %ne3A_15 = arith.cmpi ne, %rem3A_13, %ne3A_14 : vector<1x3136xi32>
    %lt3A = arith.constant 0 : i32
    %lt3A_16 = vector.broadcast %lt3A : i32 to vector<1x3136xi32>
    %lt3A_17 = arith.cmpi slt, %rem3A_13, %lt3A_16 : vector<1x3136xi32>
    %lt3A_18 = arith.constant 0 : i32
    %lt3A_19 = arith.cmpi slt, %select_n3A, %lt3A_18 : i32
    %ne3A_20 = vector.broadcast %lt3A_19 : i1 to vector<1x3136xi1>
    %ne3A_21 = vector.broadcast %ne3A_20 : vector<1x3136xi1> to vector<1x3136xi1>
    %ne3A_22 = arith.xori %lt3A_17, %ne3A_21 : vector<1x3136xi1>
    %and3A = arith.andi %ne3A_22, %ne3A_15 : vector<1x3136xi1>
    %add3A = vector.broadcast %select_n3A : i32 to vector<1x3136xi32>
    %add3A_23 = arith.addi %rem3A_13, %add3A : vector<1x3136xi32>
    %select_n3A_24 = arith.select %and3A, %add3A_23, %rem3A_13 : vector<1x3136xi1>, vector<1x3136xi32>
    %eq3A_25 = arith.constant 0 : i32
    %eq3A_26 = vector.broadcast %eq3A_25 : i32 to vector<1x3136xi32>
    %eq3A_27 = arith.cmpi eq, %select_n3A_24, %eq3A_26 : vector<1x3136xi32>
    %jit3A_28 = arith.constant 0.000000e+00 : f32
    %broadcast_in_dim3A_29 = vector.shape_cast %eq3A_27 : vector<1x3136xi1> to vector<1x3136xi1>
    %broadcast_in_dim3A_30 = vector.broadcast %broadcast_in_dim3A_29 : vector<1x3136xi1> to vector<256x3136xi1>
    %broadcast_in_dim3A_31 = vector.broadcast %jit3A_28 : f32 to vector<256x3136xf32>
    %select_n3A_32 = arith.select %broadcast_in_dim3A_30, %broadcast_in_dim3A_31, %concatenate3A_8 : vector<256x3136xi1>, vector<256x3136xf32>
    %eq3A_33 = arith.constant 55 : i32
    %eq3A_34 = vector.broadcast %eq3A_33 : i32 to vector<1x3136xi32>
    %eq3A_35 = arith.cmpi eq, %select_n3A_24, %eq3A_34 : vector<1x3136xi32>
    %jit3A_36 = arith.constant 0.000000e+00 : f32
    %broadcast_in_dim3A_37 = vector.shape_cast %eq3A_35 : vector<1x3136xi1> to vector<1x3136xi1>
    %broadcast_in_dim3A_38 = vector.broadcast %broadcast_in_dim3A_37 : vector<1x3136xi1> to vector<256x3136xi1>
    %broadcast_in_dim3A_39 = vector.broadcast %jit3A_36 : f32 to vector<256x3136xf32>
    %select_n3A_40 = arith.select %broadcast_in_dim3A_38, %broadcast_in_dim3A_39, %concatenate3A_10 : vector<256x3136xi1>, vector<256x3136xf32>
    %mul3A = arith.constant 4.000000e+00 : f32
    %mul3A_41 = vector.broadcast %mul3A : f32 to vector<256x3136xf32>
    %mul3A_42 = arith.mulf %mul3A_41, %get3A_1 : vector<256x3136xf32>
    %sub3A = arith.subf %mul3A_42, %concatenate3A : vector<256x3136xf32>
    %sub3A_43 = arith.subf %sub3A, %concatenate3A_6 : vector<256x3136xf32>
    %sub3A_44 = arith.subf %sub3A_43, %select_n3A_32 : vector<256x3136xf32>
    %sub3A_45 = arith.subf %sub3A_44, %select_n3A_40 : vector<256x3136xf32>
    %reduce_sum3A = arith.constant dense<0.000000e+00> : vector<256xf32>
    %reduce_sum3A_46 = vector.multi_reduction <add>, %get3A_1, %reduce_sum3A [1] : vector<256x3136xf32> to vector<256xf32>
    %mul3A_47 = arith.constant 3.18877544E-4 : f32
    %mul3A_48 = vector.broadcast %mul3A_47 : f32 to vector<256xf32>
    %mul3A_49 = arith.mulf %reduce_sum3A_46, %mul3A_48 : vector<256xf32>
    %abs3A = math.absf %sub3A_45 : vector<256x3136xf32>
    %reduce_sum3A_50 = arith.constant dense<0.000000e+00> : vector<256xf32>
    %reduce_sum3A_51 = vector.multi_reduction <add>, %abs3A, %reduce_sum3A_50 [1] : vector<256x3136xf32> to vector<256xf32>
    %mul3A_52 = arith.constant 3.18877544E-4 : f32
    %mul3A_53 = vector.broadcast %mul3A_52 : f32 to vector<256xf32>
    %mul3A_54 = arith.mulf %reduce_sum3A_51, %mul3A_53 : vector<256xf32>
    %stack3A = vector.shape_cast %mul3A_49 : vector<256xf32> to vector<256x1xf32>
    %stack3A_55 = vector.shape_cast %mul3A_54 : vector<256xf32> to vector<256x1xf32>
    %stack3A_56 = tpu.concatenate %stack3A, %stack3A_55 in 1 : vector<256x1xf32>, vector<256x1xf32> -> vector<256x2xf32>
    %swap3A = arith.constant 0 : index
    %swap3A_57 = arith.constant 0 : index
    %swap3A_58 = vector.load %arg2[%swap3A, %swap3A_57] : memref<256x2xf32, #tpu.memory_space<vmem>>, vector<256x2xf32>
    tpu.vector_store %arg2[%swap3A, %swap3A_57], %stack3A_56 {strides = array<i32>} : memref<256x2xf32, #tpu.memory_space<vmem>>, vector<256x2xf32>,
    return
  }
  func.func @transform_0(%arg0: i32) -> (i32, i32) {
    %c0_i32 = arith.constant 0 : i32
    %c0_i32_0 = arith.constant 0 : i32
    return %arg0, %c0_i32 : i32, i32
  }
  func.func @transform_1(%arg0: i32) -> (i32, i32) {
    %c0_i32 = arith.constant 0 : i32
    %c0_i32_0 = arith.constant 0 : i32
    return %arg0, %c0_i32 : i32, i32
  }
}

module attributes {stable_mosaic.version = 14 : i64} {
  func.func @_router_kernel(%arg0: memref<32x768xf32, #tpu.memory_space<vmem>>, %arg1: memref<384x768xf32, #tpu.memory_space<vmem>>, %arg2: memref<1x384xf32, #tpu.memory_space<vmem>>, %arg3: memref<16x384xf32, #tpu.memory_space<vmem>>, %arg4: memref<1x16xf32, #tpu.memory_space<vmem>>, %arg5: memref<32x16xf32, #tpu.memory_space<vmem>>, %arg6: memref<32x2xi32, #tpu.memory_space<vmem>>) attributes {dimension_semantics = [], scalar_prefetch = 0 : i64, scratch_operands = 0 : i64, tpu.core_type = #tpu.core_type<tc>} {
    %get3A = arith.constant 0 : index
    %get3A_0 = arith.constant 0 : index
    %get3A_1 = vector.load %arg0[%get3A, %get3A_0] : memref<32x768xf32, #tpu.memory_space<vmem>>, vector<32x768xf32>
    %get3A_2 = arith.constant 0 : index
    %get3A_3 = arith.constant 0 : index
    %get3A_4 = vector.load %arg1[%get3A_2, %get3A_3] : memref<384x768xf32, #tpu.memory_space<vmem>>, vector<384x768xf32>
    %dot_general3A = arith.constant dense<0.000000e+00> : vector<32x384xf32>
    %dot_general3A_5 = tpu.matmul %get3A_1, %get3A_4, %dot_general3A {dimension_numbers = #tpu.dot_dimension_numbers<[1], [1], [0], [0], [0, 0, 1, 0], [], []>, transpose_lhs_hint = false} : vector<32x768xf32>, vector<384x768xf32>, vector<32x384xf32> -> vector<32x384xf32>
    %get3A_6 = arith.constant 0 : index
    %get3A_7 = arith.constant 0 : index
    %get3A_8 = vector.load %arg2[%get3A_6, %get3A_7] : memref<1x384xf32, #tpu.memory_space<vmem>>, vector<1x384xf32>
    %add3A = vector.broadcast %get3A_8 : vector<1x384xf32> to vector<32x384xf32>
    %add3A_9 = arith.addf %dot_general3A_5, %add3A : vector<32x384xf32>
    %max3A = arith.constant 0.000000e+00 : f32
    %max3A_10 = vector.broadcast %max3A : f32 to vector<32x384xf32>
    %max3A_11 = arith.maximumf %add3A_9, %max3A_10 : vector<32x384xf32>
    %get3A_12 = arith.constant 0 : index
    %get3A_13 = arith.constant 0 : index
    %get3A_14 = vector.load %arg3[%get3A_12, %get3A_13] : memref<16x384xf32, #tpu.memory_space<vmem>>, vector<16x384xf32>
    %dot_general3A_15 = arith.constant dense<0.000000e+00> : vector<32x16xf32>
    %dot_general3A_16 = tpu.matmul %max3A_11, %get3A_14, %dot_general3A_15 {dimension_numbers = #tpu.dot_dimension_numbers<[1], [1], [0], [0], [0, 0, 1, 0], [], []>, transpose_lhs_hint = false} : vector<32x384xf32>, vector<16x384xf32>, vector<32x16xf32> -> vector<32x16xf32>
    %get3A_17 = arith.constant 0 : index
    %get3A_18 = arith.constant 0 : index
    %get3A_19 = vector.load %arg4[%get3A_17, %get3A_18] : memref<1x16xf32, #tpu.memory_space<vmem>>, vector<1x16xf32>
    %add3A_20 = vector.broadcast %get3A_19 : vector<1x16xf32> to vector<32x16xf32>
    %add3A_21 = arith.addf %dot_general3A_16, %add3A_20 : vector<32x16xf32>
    %iota3A = tpu.iota {dimensions = array<i32: 1>} : vector<32x16xi32>
    %reduce_max3A = arith.constant dense<0xFF800000> : vector<32xf32>
    %reduce_max3A_22 = vector.multi_reduction <maximumf>, %add3A_21, %reduce_max3A [1] : vector<32x16xf32> to vector<32xf32>
    %broadcast_in_dim3A = vector.shape_cast %reduce_max3A_22 : vector<32xf32> to vector<32x1xf32>
    %eq3A = vector.broadcast %broadcast_in_dim3A : vector<32x1xf32> to vector<32x16xf32>
    %eq3A_23 = arith.cmpf oeq, %add3A_21, %eq3A : vector<32x16xf32>
    %jit3A = arith.constant 16 : i32
    %broadcast_in_dim3A_24 = vector.broadcast %jit3A : i32 to vector<32x16xi32>
    %select_n3A = arith.select %eq3A_23, %iota3A, %broadcast_in_dim3A_24 : vector<32x16xi1>, vector<32x16xi32>
    %reduce_min3A = arith.constant dense<2147483647> : vector<32xi32>
    %reduce_min3A_25 = vector.multi_reduction <minsi>, %select_n3A, %reduce_min3A [1] : vector<32x16xi32> to vector<32xi32>
    %broadcast_in_dim3A_26 = vector.shape_cast %reduce_min3A_25 : vector<32xi32> to vector<32x1xi32>
    %eq3A_27 = vector.broadcast %broadcast_in_dim3A_26 : vector<32x1xi32> to vector<32x16xi32>
    %eq3A_28 = arith.cmpi eq, %iota3A, %eq3A_27 : vector<32x16xi32>
    %jit3A_29 = arith.constant -3.000000e+38 : f32
    %broadcast_in_dim3A_30 = vector.broadcast %jit3A_29 : f32 to vector<32x16xf32>
    %select_n3A_31 = arith.select %eq3A_28, %broadcast_in_dim3A_30, %add3A_21 : vector<32x16xi1>, vector<32x16xf32>
    %reduce_max3A_32 = arith.constant dense<0xFF800000> : vector<32xf32>
    %reduce_max3A_33 = vector.multi_reduction <maximumf>, %select_n3A_31, %reduce_max3A_32 [1] : vector<32x16xf32> to vector<32xf32>
    %broadcast_in_dim3A_34 = vector.shape_cast %reduce_max3A_33 : vector<32xf32> to vector<32x1xf32>
    %eq3A_35 = vector.broadcast %broadcast_in_dim3A_34 : vector<32x1xf32> to vector<32x16xf32>
    %eq3A_36 = arith.cmpf oeq, %select_n3A_31, %eq3A_35 : vector<32x16xf32>
    %jit3A_37 = arith.constant 16 : i32
    %broadcast_in_dim3A_38 = vector.broadcast %jit3A_37 : i32 to vector<32x16xi32>
    %select_n3A_39 = arith.select %eq3A_36, %iota3A, %broadcast_in_dim3A_38 : vector<32x16xi1>, vector<32x16xi32>
    %reduce_min3A_40 = arith.constant dense<2147483647> : vector<32xi32>
    %reduce_min3A_41 = vector.multi_reduction <minsi>, %select_n3A_39, %reduce_min3A_40 [1] : vector<32x16xi32> to vector<32xi32>
    %broadcast_in_dim3A_42 = vector.shape_cast %reduce_min3A_41 : vector<32xi32> to vector<32x1xi32>
    %sub3A = arith.subf %broadcast_in_dim3A_34, %broadcast_in_dim3A : vector<32x1xf32>
    %exp3A = math.exp %sub3A : vector<32x1xf32>
    %add3A_43 = arith.constant 1.000000e+00 : f32
    %add3A_44 = vector.broadcast %add3A_43 : f32 to vector<32x1xf32>
    %add3A_45 = arith.addf %add3A_44, %exp3A : vector<32x1xf32>
    %div3A = arith.constant 1.000000e+00 : f32
    %div3A_46 = vector.broadcast %div3A : f32 to vector<32x1xf32>
    %div3A_47 = arith.divf %div3A_46, %add3A_45 : vector<32x1xf32>
    %div3A_48 = arith.divf %exp3A, %add3A_45 : vector<32x1xf32>
    %eq3A_49 = vector.broadcast %broadcast_in_dim3A_26 : vector<32x1xi32> to vector<32x16xi32>
    %eq3A_50 = arith.cmpi eq, %iota3A, %eq3A_49 : vector<32x16xi32>
    %jit3A_51 = arith.constant 0.000000e+00 : f32
    %broadcast_in_dim3A_52 = vector.shape_cast %div3A_47 : vector<32x1xf32> to vector<32x1xf32>
    %broadcast_in_dim3A_53 = vector.broadcast %broadcast_in_dim3A_52 : vector<32x1xf32> to vector<32x16xf32>
    %broadcast_in_dim3A_54 = vector.broadcast %jit3A_51 : f32 to vector<32x16xf32>
    %select_n3A_55 = arith.select %eq3A_50, %broadcast_in_dim3A_53, %broadcast_in_dim3A_54 : vector<32x16xi1>, vector<32x16xf32>
    %eq3A_56 = vector.broadcast %broadcast_in_dim3A_42 : vector<32x1xi32> to vector<32x16xi32>
    %eq3A_57 = arith.cmpi eq, %iota3A, %eq3A_56 : vector<32x16xi32>
    %jit3A_58 = arith.constant 0.000000e+00 : f32
    %broadcast_in_dim3A_59 = vector.shape_cast %div3A_48 : vector<32x1xf32> to vector<32x1xf32>
    %broadcast_in_dim3A_60 = vector.broadcast %broadcast_in_dim3A_59 : vector<32x1xf32> to vector<32x16xf32>
    %broadcast_in_dim3A_61 = vector.broadcast %jit3A_58 : f32 to vector<32x16xf32>
    %select_n3A_62 = arith.select %eq3A_57, %broadcast_in_dim3A_60, %broadcast_in_dim3A_61 : vector<32x16xi1>, vector<32x16xf32>
    %add3A_63 = arith.addf %select_n3A_55, %select_n3A_62 : vector<32x16xf32>
    %swap3A = arith.constant 0 : index
    %swap3A_64 = arith.constant 0 : index
    %swap3A_65 = vector.load %arg5[%swap3A, %swap3A_64] : memref<32x16xf32, #tpu.memory_space<vmem>>, vector<32x16xf32>
    tpu.vector_store %arg5[%swap3A, %swap3A_64], %add3A_63 {strides = array<i32>} : memref<32x16xf32, #tpu.memory_space<vmem>>, vector<32x16xf32>,
    %concatenate3A = tpu.concatenate %broadcast_in_dim3A_26, %broadcast_in_dim3A_42 in 1 : vector<32x1xi32>, vector<32x1xi32> -> vector<32x2xi32>
    %swap3A_66 = arith.constant 0 : index
    %swap3A_67 = arith.constant 0 : index
    %swap3A_68 = vector.load %arg6[%swap3A_66, %swap3A_67] : memref<32x2xi32, #tpu.memory_space<vmem>>, vector<32x2xi32>
    tpu.vector_store %arg6[%swap3A_66, %swap3A_67], %concatenate3A {strides = array<i32>} : memref<32x2xi32, #tpu.memory_space<vmem>>, vector<32x2xi32>,
    return
  }
}

</mosaic_0001>

<sc_bundles>
// kernel: sparse-core-data-format-call.cloned.1.call-start
scs
called_computation_lowered:
.L_overlay_start_0:
0x0: {  	s2 =	sld [smem:$0x3FD9]  }
0x1: {  	s3 =	sld [smem:$0x3FFE];
	_ =	sdelay $0x1  }
0x2: {  	s1 =	srdreg.scid  }
0x3: {  	s0 =	sand.u32 $0x1, s1  }
0x4: {  	s18 =	sshll.u32 s0, $0xA;
	s2 =	sadd.s32 s3, s2  }
0x5: {  	s2 =	sadd.s32 s2, s18  }
0x6: {  	[smem:$0x3FC3] =	sst s2  }
0x7: {  	_ = 	snop  }
0x8: {  	s2 =	sld [smem:$0x3FC9];
	(tm) =	ssettm $0x1  }
0x9: {  	s19 =	sld [smem:$0x3FFB];
	_ =	sdelay $0x3  }
0xa: {  	_ =	strace s19  }
0xb: {  	s3 =	sld [smem:$0x3FFC];
	_ =	sdelay $0x3  }
0xc: {  	_ =	strace s3  }
0xd: {  	s3 =	sld [smem:$0x3FFD];
	_ =	sdelay $0x3  }
0xe: {  	_ =	strace s3  }
0xf: {  	_ =	strace $0x8FFFFFFF  }
0x10: {  	s20 =	sld [smem:$0x3FDB];
	_ =	sdelay $0x1  }
0x11: {  	s4 =	simm.s32 $_scs_section_size  }
0x12: {  	s5 =	simm.s32 $_size__tile_overlayer_lowered;
	s6 =	simm.s32 $_tile_overlayer_lowered  }
0x13: {  	s23 =	simm.s32 $0x1BFF;
	s22 =	sshll.u32 s6, $0x1;
	s3 =	sadd.s32 s4, s20  }
0x14: {  	s7 =	simm.s32 $0x0;
	s21 =	sshll.u32 s5, $0x1;
	s5 =	sadd.s32 s22, s3  }
0x15: {  	[timem:s7], [sflag:s23] =	dma.local [hbm:s5], s21  }
0x16: {  	_ =	swait.ge [sflag:s23], s21  }
0x17: {  	s4 =	ssub.s32 $0x0, s21;
	[sflag:s23] =	ssyncset.done $0x0  }
0x18: {  	[sflag:s23] =	ssyncadd.s32 s4;
	_ =	sdelay $0x1  }
0x19: {  	s24 =	simm.s32 $0x1B8B  }
0x1a: {  	_ =	swait.ge [sflag:s24], $0x1  }
0x1b: {  	[sflag:s24] =	ssyncset.done $0x0  }
0x1c: {  	s26 =	simm.s32 $0x1B8E;
	s25 =	sld [smem:$0x3FFE];
	[sflag:s24] =	ssyncadd.s32 $0xFFFFFFFF  }
0x1d: {  	s27 =	simm.s32 $execute0_lowered;
	[smem:$0x3FD2] =	sst s26  }
0x1e: {  	s5 =	sshll.u32 s27, $0x1;
	_ =	strace $0x80000046;
	[dreg:$0x1] =	wrdreg $0xFFFFFFFF  }
0x1f: {  	s28 =	simm.s32 $_size_execute0_lowered;
	s3 =	sadd.s32 s3, s5;
	[dreg:$0x0] =	wrdreg $0x0  }
0x20: {  	s5 =	sshll.u32 s28, $0x1;
	[dreg:$0x2] =	wrdreg s3  }
0x21: {  	[dreg:$0x3] =	wrdreg s5  }
0x22: {  	[dreg:$0x4] =	wrdreg $0xC0  }
0x23: {  	_ =	task [dreg:s7], $0x5FFFF  }
0x24: {  	[dreg:$0x1] =	wrdreg $0xFFFFFFFF  }
0x25: {  	[dreg:$0x0] =	wrdreg $0x60  }
0x26: {  	[dreg:$0x2] =	wrdreg s2  }
0x27: {  	[dreg:$0x3] =	wrdreg s25  }
0x28: {  	[dreg:$0x4] =	wrdreg $0x9  }
0x29: {  	_ =	task.clear_ibuf [dreg:s7], $0x5FFFF;
	_ =	strace $0x90000046  }
0x2a: {  	s29 =	simm.s32 $0x9;
	_ =	strace $0x80000048  }
0x2b: {  	_ =	swait.ge [sflag:s29], $0x1  }
0x2c: {  	[sflag:s29] =	ssyncadd.s32 $0xFFFFFFFF  }
0x2d: {  	_ =	strace $0x90000048  }
0x2e: {  	_ =	sfence  }
0x2f: {  	s30 =	sld [smem:$0x0];
	_ =	sdelay $0x2  }
0x30: {  	s31 =	sshll.u32 s1, $0xD;
	s1 =	sshrl.u32 s1, $0x2  }
0x31: {  	s3 =	sand.u32 $0x4000, s31;
	s1 =	sadd.s32 s1, s30  }
0x32: {  	s0 =	sor.u32 s3, s0;
	s1 =	sshll.u32 s1, $0x11  }
0x33: {  	s0 =	sor.u32 s1, s0  }
0x34: {  	s0 =	sadd.s32 $0x8F2B, s0  }
0x35: {  	[sflag:s0] =	ssyncadd.remote.s32 $0x1  }
0x36: {  	_ =	sfence.sel $0xFFFF  }
0x37: {  	[dreg:$0x0] =	wrdreg $0xFFFFFFFF;
	(pc) =	sbr.abs _section_cstart, $3  }
0x38: {  	[dreg:$0x1] =	wrdreg $0xFFFFFFFF  }
0x39: {  	_ =	task.clear_ibuf [dreg:s7], $0x2FFFF;
	_ =	strace $0x9FFFFFFF  }
0x3a: {  	(tm) =	ssettm $0x7FFFFFFF  }
0x3b: {  	_ =	shalt  }
tec
execute0_lowered:
.L_overlay_start_1:
0x0: {  	(tag) =	ssettag $0x1  }
0x1: {  	s2 =	rddreg [dreg:$0x0]  }
0x2: {  	s1 =	rddreg [dreg:$0x1]  }
0x3: {  	s0 =	rddreg [dreg:$0x2]  }
0x4: {  	s4 =	srdreg.scid;
	_ =	strace $0x80000047;
	s6 =	simm.s32 $0x2  }
0x5: {  	s14 =	simm.s32 $0x0;
	p0 =	por $0x0, $0x0;
	s7 =	simm.s32 $0x1C00  }
0x6: {  	s13 =	simm.s32 $0x0;
	s16 =	simm.s32 $0x0;
	s15 =	simm.s32 $0x0  }
.Ltmp0:
0x7: {  	s9 =	simm.s32 $0x0;
	s10 =	simm.s32 $0x0;
	(pc) =	sbr.rel .LBB1_1-.Ltmp0, $4  }
0x8: {  	s11 =	simm.s32 $0x0;
	s3 =	sadd.s32 $0x1200, s1;
	s4 =	sshll.u32 s4, $0x4  }
0x9: {  	s1 =	stileid.u32;
	s5 =	sand.u32 $0x10, s4;
	s4 =	simm.s32 $0x1  }
0xa: {  	s8 =	simm.s32 $0x0;
	s5 =	sor.u32 s1, s5;
	[sflag:s4] =	ssyncpa.u1 $0x0  }
0xb: {  	[sflag:s6] =	ssyncpa.u1 $0x0;
	s6 =	simm.s32 $0xC00;
	s12 =	smov.u32 s5  }
.LBB1_3:
0xc: {  	p1 =	seq.s32 s8, $0x0  }
0xd: {  	p2 =	seq.s32 @!p1 s8, $0xA9  }
0xe: {  	p1 =	por p1, p2  }
.Ltmp1:
0xf: {  	_ = 	snop;
	(pc) =	sbr.rel @!p1 .LBB1_4-.Ltmp1, $1  }
0x10: {  	_ =	sdelay $0x3  }
.LBB1_7:
0x11: {  	s17 =	sadd.s32 $0x80, s9  }
0x12: {  	s13 =	sadd.s32 $0x40, s10;
	s18 =	smov.u32 s10;
	p2 =	sgt.s32 s17, $0x17F  }
0x13: {  	s18 =	smov.u32 @p2 s13  }
0x14: {  	s13 =	simm.s32 $0x1;
	p3 =	sgt.s32 s18, $0x37  }
0x15: {  	s13 =	simm.s32 @!p3 $0x0  }
0x16: {  	s19 =	sadd.s32 s13, s11  }
0x17: {  	s20 =	smov.u32 s12;
	s13 =	sadd.s32 $0x20, s12;
	p4 =	sgt.s32 s19, $0x37  }
0x18: {  	p1 =	slt.u32 s8, $0x2;
	s20 =	smov.u32 @p4 s13  }
0x19: {  	s8 =	sadd.s32 $0x1, s8;
	s17 =	simm.s32 @p2 $0x0;
	p2 =	sgt.s32 s20, $0x1F  }
0x1a: {  	s14 =	smov.u32 s9;
	s20 =	smov.u32 @p2 s5;
	p2 =	sne.s32 s8, $0xAA  }
.Ltmp2:
0x1b: {  	s16 =	smov.u32 s11;
	s21 =	simm.s32 @!p1 $0x2;
	(pc) =	sbr.rel @!p2 .LBB1_8-.Ltmp2, $4  }
0x1c: {  	s15 =	smov.u32 s12;
	p0 =	por !p0, !p0;
	_ =	swait.ge @!p1 [sflag:s21], $0x2000  }
0x1d: {  	[sflag:s21] =	ssyncset.done @!p1 $0x0;
	s9 =	smov.u32 s17;
	s18 =	simm.s32 @p3 $0x0  }
0x1e: {  	[sflag:s21] =	ssyncadd.s32 @!p1 $0xFFFFE000;
	s19 =	simm.s32 @p4 $0x0;
	s13 =	smov.u32 s10  }
0x1f: {  	s10 =	smov.u32 s18;
	s11 =	smov.u32 s19;
	s12 =	smov.u32 s20  }
.LBB1_1:
0x20: {  	p1 =	sgt.u32 s8, $0xA7  }
.Ltmp3:
0x21: {  	_ = 	snop;
	(pc) =	sbr.rel @p1 .LBB1_3-.Ltmp3, $1  }
0x22: {  	_ =	sdelay $0x3  }
0x23: {  	s17 =	sshrl.u32 s10, $0x3  }
0x24: {  	s18 =	sshll.u32 s9, $0x3;
	s17 =	smul.u32 $0xC00, s17  }
0x25: {  	s19 =	sshll.u32 s10, $0x7;
	s18 =	sand.u32 $0xFFFFFC00, s18  }
0x26: {  	s24 =	sand.u32 $0x380, s19;
	s17 =	sadd.s32 s17, s18  }
0x27: {  	s25 =	sand.u32 $0x7F, s9;
	s17 =	sor.u32 s24, s17  }
0x28: {  	p1 =	sgt.s32 s12, $0x1F;
	s20 =	smov.u32 s12;
	s18 =	sor.u32 s25, s17  }
0x29: {  	s21 =	sshra.s32 s12, $0x1F;
	s22 =	sxor.u32 $0xFFFFFFFF, s8;
	s19 =	smulhi.u32 $0xAAAAAAAB, s18  }
0x2a: {  	s28 =	sshra.s32 s11, $0x1F;
	s20 =	simm.s32 @!p1 $0x1F;
	s21 =	sand.u32 s21, s12  }
0x2b: {  	s23 =	sshra.s32 s10, $0x1F;
	s20 =	ssub.s32 s20, s21;
	s19 =	sshrl.u32 s19, $0x8  }
0x2c: {  	s31 =	sshra.s32 s9, $0x1F;
	s27 =	sadd.s32 $0xFFFFFFE1, s20;
	s19 =	smul.u32 $0x180, s19  }
0x2d: {  	s26 =	sshll.u32 s22, $0xD;
	s22 =	sand.u32 s28, s11;
	p1 =	sgt.s32 s27, $0x0  }
0x2e: {  	s17 =	smulhi.u32 $0xAAAAAAAB, s17;
	s18 =	ssub.s32 s18, s19;
	s19 =	ssub.s32 $0x20, s20  }
0x2f: {  	s20 =	smov.u32 s11;
	s19 =	simm.s32 @p1 $0x0;
	p1 =	sgt.s32 s11, $0x37  }
0x30: {  	s23 =	sand.u32 s23, s10;
	s17 =	sshrl.u32 s17, $0x8;
	s20 =	simm.s32 @!p1 $0x37  }
0x31: {  	p1 =	sgt.s32 s10, $0xFFFFFFF8;
	s20 =	ssub.s32 s20, s22;
	s22 =	smov.u32 s10  }
0x32: {  	s29 =	smulhi.u32 $0x4924925, s17;
	s24 =	sadd.s32 $0xFFFFFFC9, s20;
	s22 =	simm.s32 @!p1 $0xFFFFFFF8  }
0x33: {  	s20 =	ssub.s32 $0x38, s20;
	p1 =	sgt.s32 s24, $0x0;
	s22 =	ssub.s32 s22, s23  }
0x34: {  	s23 =	smul.u32 $0x38, s29;
	s20 =	simm.s32 @p1 $0x0;
	s30 =	sadd.s32 $0x8, s22  }
0x35: {  	s19 =	smul.u32 s19, s20;
	p1 =	sgt.s32 s30, $0x3F;
	s20 =	ssub.s32 $0x38, s22  }
0x36: {  	s22 =	smov.u32 s9;
	s20 =	simm.s32 @p1 $0x0;
	p1 =	sgt.s32 s9, $0x100  }
0x37: {  	s27 =	smul.u32 $0xA80, s11;
	s24 =	sand.u32 s31, s9;
	s22 =	simm.s32 @!p1 $0x100  }
0x38: {  	s17 =	ssub.s32 s17, s23;
	s19 =	smul.u32 s20, s19;
	s25 =	ssub.s32 s22, s24  }
0x39: {  	s20 =	sand.u32 $0x2000, s26;
	s26 =	smul.u32 $0x24C00, s12;
	s22 =	sadd.s32 $0xFFFFFF00, s25  }
0x3a: {  	s17 =	smul.u32 $0x30, s17;
	s21 =	ssub.s32 $0x180, s25;
	p1 =	sgt.s32 s22, $0x7F  }
.Ltmp4:
0x3b: {  	s23 =	sadd.s32 s2, s26;
	s21 =	simm.s32 @p1 $0x0;
	(pc) =	sbr.rel .LBB1_3-.Ltmp4, $4  }
0x3c: {  	s29 =	sand.u32 $0x7, s18;
	s28 =	sadd.s32 s27, s23;
	s19 =	smul.u32 s21, s19  }
0x3d: {  	s18 =	sshrl.u32 s18, $0x3;
	s30 =	sshll.u32 s29, $0x12;
	s17 =	sadd.s32 s17, s28  }
0x3e: {  	s31 =	sor.u32 $0x400, s30;
	s17 =	sadd.s32 s18, s17;
	s19 =	sand.u32 $0x3FFFFFFF, s19  }
0x3f: {  	[tilespmem:s20], [sflag:$0x1] =	stream.strided.gather [hbm4b:s17+s31], s19, s6, s31, $0x38;
	[tilespmem:$0x8100] =	vst v63  }
.LBB1_4:
0x40: {  	p1 =	sgt.s32 s15, $0x1F;
	s17 =	smov.u32 s15;
	s18 =	sshra.s32 s15, $0x1F  }
0x41: {  	s19 =	smov.u32 s16;
	s20 =	sshra.s32 s16, $0x1F;
	s25 =	sshra.s32 s13, $0x1F  }
0x42: {  	s17 =	simm.s32 @!p1 $0x1F;
	s18 =	sand.u32 s18, s15;
	p1 =	sgt.s32 s16, $0x37  }
0x43: {  	s23 =	sand.u32 s20, s16;
	s17 =	ssub.s32 s17, s18;
	s19 =	simm.s32 @!p1 $0x37  }
0x44: {  	s27 =	sshra.s32 s14, $0x1F;
	s24 =	sadd.s32 $0xFFFFFFE1, s17;
	s18 =	ssub.s32 s19, s23  }
0x45: {  	s17 =	ssub.s32 $0x20, s17;
	p1 =	sgt.s32 s24, $0x0;
	s19 =	sadd.s32 $0xFFFFFFC9, s18  }
0x46: {  	s18 =	ssub.s32 $0x38, s18;
	s17 =	simm.s32 @p1 $0x0;
	p1 =	sgt.s32 s19, $0x0  }
0x47: {  	s19 =	smov.u32 s13;
	s18 =	simm.s32 @p1 $0x0;
	p1 =	sgt.s32 s13, $0xFFFFFFF8  }
0x48: {  	s26 =	sand.u32 s25, s13;
	s17 =	smul.u32 s17, s18;
	s19 =	simm.s32 @!p1 $0xFFFFFFF8  }
0x49: {  	p1 =	sgt.s32 s14, $0x100;
	s18 =	ssub.s32 s19, s26;
	s19 =	smov.u32 s14  }
0x4a: {  	s20 =	sand.u32 s27, s14;
	s21 =	sadd.s32 $0x8, s18;
	s19 =	simm.s32 @!p1 $0x100  }
0x4b: {  	s18 =	ssub.s32 $0x38, s18;
	p1 =	sgt.s32 s21, $0x3F;
	s19 =	ssub.s32 s19, s20  }
0x4c: {  	s18 =	simm.s32 @p1 $0x0;
	s20 =	sadd.s32 $0xFFFFFF00, s19  }
0x4d: {  	s17 =	smul.u32 s18, s17;
	p1 =	sgt.s32 s20, $0x7F;
	s18 =	ssub.s32 $0x180, s19  }
0x4e: {  	s18 =	simm.s32 @p1 $0x0  }
0x4f: {  	s17 =	smul.u32 s18, s17;
	_ =	sdelay $0x1  }
0x50: {  	s18 =	simm.s32 $0x1;
	s17 =	sand.u32 $0x3FFFFFFF, s17  }
0x51: {  	s18 =	simm.s32 @!p0 $0x0;
	_ =	swait.ge [sflag:s4], s17  }
0x52: {  	s28 =	sshll.u32 s18, $0xD;
	s17 =	ssub.s32 $0x0, s17;
	[sflag:s4] =	ssyncset.done $0x0  }
0x53: {  	s29 =	sor.u32 $0x40, s28;
	[sflag:s4] =	ssyncadd.s32 s17  }
0x54: {  	s30 =	smul.u32 $0x8200, s18;
	v0 =	vld [tilespmem:s29+$0x30]  }
0x55: {  	v1 =	vld [tilespmem:s29+$0xFFFFFFD0]  }
0x56: {  	s17 =	sshrl.u32 s30, $0x2;
	v5 =	vld [tilespmem:s29+$0xFFFFFFE0]  }
0x57: {  	s18 =	sor.u32 $0x4000, s17;
	v6 =	vld [tilespmem:s29+$0xFFFFFFF0]  }
0x58: {  	s31 =	sand.u32 $0x1, s8;
	v4 =	vld [tilespmem:s29+$0x0];
	s19 =	sadd.s32 $0x0, s18  }
0x59: {  	s17 =	smul.u32 $0x8200, s31;
	v2 =	vld [tilespmem:s29+$0x10];
	[tilespmem:s19+$0x1C70 ss:$0x41] =	vst.msk $0xffff, v0  }
0x5a: {  	v3 =	vld [tilespmem:s29+$0x20];
	[tilespmem:s19+$0x410 ss:$0x41] =	vst.msk $0xffff, v1  }
0x5b: {  	s20 =	sadd.s32 $0x80, s29;
	s17 =	sshrl.u32 s17, $0x2;
	v0 =	vld [tilespmem:s29+$0xFFFFFFC0];
	[tilespmem:s19+$0x820 ss:$0x41] =	vst.msk $0xffff, v5  }
0x5c: {  	s22 =	simm.s32 $0x8;
	s21 =	simm.s32 $0x4;
	s17 =	sor.u32 $0x4000, s17;
	v1 =	vld [tilespmem:s20+$0x30];
	[tilespmem:s19+$0xC30 ss:$0x41] =	vst.msk $0xffff, v6  }
.LBB1_5:
0x5d: {  	p1 =	sne.s32 s22, $0xFC;
	v5 =	vld [tilespmem:s20+$0xFFFFFFD0];
	[tilespmem:s19+$0x1040 ss:$0x41] =	vst.msk $0xffff, v4  }
0x5e: {  	v6 =	vld [tilespmem:s20+$0xFFFFFFE0];
	[tilespmem:s19+$0x1450 ss:$0x41] =	vst.msk $0xffff, v2  }
0x5f: {  	s23 =	sshra.s32 s21, $0x2;
	s21 =	smov.u32 s22;
	v7 =	vld [tilespmem:s20+$0xFFFFFFF0];
	[tilespmem:s19+$0x1860 ss:$0x41] =	vst.msk $0xffff, v3  }
.Ltmp5:
0x60: {  	v4 =	vld [tilespmem:s20+$0x0];
	[tilespmem:s19+$0x0 ss:$0x41] =	vst.msk $0xffff, v0;
	s19 =	sadd.s32 s23, s18;
	(pc) =	sbr.rel @p1 .LBB1_5-.Ltmp5, $4  }
0x61: {  	v2 =	vld [tilespmem:s20+$0x10];
	[tilespmem:s19+$0x1C70 ss:$0x41] =	vst.msk $0xffff, v1  }
0x62: {  	[tilespmem:s19+$0x410 ss:$0x41] =	vst.msk $0xffff, v5;
	v3 =	vld [tilespmem:s20+$0x20]  }
0x63: {  	v0 =	vld [tilespmem:s20+$0xFFFFFFC0];
	[tilespmem:s19+$0x820 ss:$0x41] =	vst.msk $0xffff, v6;
	s20 =	sadd.s32 $0x80, s20  }
0x64: {  	s22 =	sadd.s32 $0x4, s22;
	v1 =	vld [tilespmem:s20+$0x30];
	[tilespmem:s19+$0xC30 ss:$0x41] =	vst.msk $0xffff, v7  }
0x65: {  	s16 =	sshll.u32 s16, $0x7;
	s22 =	sshll.u32 s13, $0x3;
	v5 =	vld [tilespmem:s20+$0xFFFFFFD0];
	[tilespmem:s19+$0x1040 ss:$0x41] =	vst.msk $0xffff, v4  }
0x66: {  	v58 =	vld [tilespmem:s20+$0xFFFFFFE0];
	s23 =	sand.u32 $0xFFFFFC00, s16;
	s22 =	sand.u32 $0xFFFFFC00, s22;
	[tilespmem:s19+$0x1450 ss:$0x41] =	vst.msk $0xffff, v2  }
0x67: {  	s21 =	sshra.s32 s21, $0x2;
	v59 =	vld [tilespmem:s20+$0xFFFFFFF0];
	s16 =	sand.u32 $0x380, s16;
	s22 =	sadd.s32 s23, s22;
	[tilespmem:s19+$0x1860 ss:$0x41] =	vst.msk $0xffff, v3  }
0x68: {  	v60 =	vld [tilespmem:s20+$0x0];
	s18 =	sadd.s32 s21, s18;
	s16 =	sor.u32 s16, s22;
	[tilespmem:s19+$0x0 ss:$0x41] =	vst.msk $0xffff, v0  }
0x69: {  	v61 =	vld [tilespmem:s20+$0x10];
	s15 =	smul.u32 $0x54000, s15;
	s16 =	sshrl.u32 s16, $0x7;
	[tilespmem:s18+$0x1C70 ss:$0x41] =	vst.msk $0xffff, v1  }
0x6a: {  	v62 =	vld [tilespmem:s20+$0x20];
	s28 =	smulhi.u32 $0x4924925, s16;
	[tilespmem:s18+$0x410 ss:$0x41] =	vst.msk $0xffff, v5  }
0x6b: {  	v63 =	vld [tilespmem:s20+$0xFFFFFFC0];
	s14 =	smul.u32 $0x380, s14;
	[tilespmem:s18+$0x820 ss:$0x41] =	vst.msk $0xffff, v58  }
0x6c: {  	s29 =	sshrl.u32 s13, $0x3;
	[tilespmem:s18+$0xC30 ss:$0x41] =	vst.msk $0xffff, v59;
	s19 =	smul.u32 $0x38, s28  }
.Ltmp6:
0x6d: {  	s30 =	sand.u32 $0x7, s13;
	s15 =	sadd.s32 s3, s15;
	[tilespmem:s18+$0x1040 ss:$0x41] =	vst.msk $0xffff, v60;
	(pc) =	sbr.rel .LBB1_7-.Ltmp6, $4  }
0x6e: {  	s14 =	sadd.s32 s14, s15;
	[tilespmem:s18+$0x1450 ss:$0x41] =	vst.msk $0xffff, v61;
	s16 =	ssub.s32 s16, s19;
	s19 =	sand.u32 $0xF, s29  }
0x6f: {  	s13 =	sshll.u32 s30, $0x12;
	[tilespmem:s18+$0x1860 ss:$0x41] =	vst.msk $0xffff, v62;
	s31 =	sshll.u32 s16, $0x4;
	s14 =	sadd.s32 s19, s14  }
0x70: {  	s13 =	sor.u32 $0x40, s13;
	[tilespmem:s18+$0x0 ss:$0x41] =	vst.msk $0xffff, v63;
	s14 =	sadd.s32 s31, s14  }
0x71: {  	[hbm4b:s14+s13] =	stream.strided.scatter [tilespmem:s17], [sflag:$0x2], $0x2000, s7, s13, $0x18;
	[tilespmem:$0x8100] =	vst v63  }
.LBB1_8:
0x72: {  	_ =	sfence.sel $0x180000  }
0x73: {  	s2 =	simm.s32 $0x1;
	[bflag:$0x0] =	sbarrier.arrive $0xFFFF  }
0x74: {  	s31 =	simm.s32 $0x2;
	[sflag:s2] =	ssyncpa.u1 $0x1  }
0x75: {  	[sflag:s31] =	ssyncpa.u1 $0x1  }
0x76: {  	p0 =	sne.s32 s1, $0x0;
	_ =	strace $0x90000047  }
0x77: {  	s0 =	sadd.s32 @!p0 $0x100000, s0;
	[bflag:$0x2] =	sbarrier.arrive $0xFFFF  }
0x78: {  	[sflag:s0] =	ssyncadd.tile.s32 @!p0 $0x1;
	_ =	shalt  }
.Lfunc_end1:
_tile_overlayer_lowered:
.L_overlay_start_2:
0x79: {  	(tag) =	ssettag $0x2  }
0x7a: {  	s0 =	rddreg [dreg:$0x0];
	s2 =	stileid.u32  }
0x7b: {  	s1 =	rddreg [dreg:$0x1];
	p0 =	sne.s32 s2, $0x0  }
0x7c: {  	s3 =	rddreg [dreg:$0x2];
	[bflag:$0x3] =	sbarrier.arrive $0xFFFF;
	s2 =	simm.s32 @!p0 $0x1C01  }
0x7d: {  	[timem:s3], [sflag:s2] =	dma.local @!p0 [hbm:s0], s1  }
0x7e: {  	s0 =	simm.s32 @!p0 $0x1  }
0x7f: {  	_ =	swait.ge @!p0 [sflag:s0], s1  }
0x80: {  	s1 =	ssub.s32 @!p0 $0x0, s1;
	[sflag:s0] =	ssyncset.done @!p0 $0x0  }
0x81: {  	[sflag:s0] =	ssyncadd.s32 @!p0 s1  }
0x82: {  	[bflag:$0x3] =	sbarrier.arrive $0xFFFF  }
0x83: {  	_ =	shalt  }

</sc_bundles>
